<compile_context>
chip_gen: v7x
topology: tpu7x:2x2x1
jax: 0.10.2.dev20260603
libtpu: 0.0.44.dev20260713+nightly
codegen_flags: <defaults>
</compile_context>

<pallas_src>
import functools

import jax
import jax.numpy as jnp
from jax import lax
from jax.experimental import pallas as pl
from jax.experimental.pallas import tpu as pltpu
from jax.experimental.pallas import tpu_sc as plsc

NUM_CORES = 2
NUM_SUBCORES = 16
NUM_WORKERS = NUM_CORES * NUM_SUBCORES


def kernel(labels, embedding_table):
    B = labels.shape[0]
    V, D = embedding_table.shape
    b_per_w = B // NUM_WORKERS

    mesh = plsc.VectorSubcoreMesh(core_axis_name="c", subcore_axis_name="s")

    @functools.partial(
        pl.kernel,
        mesh=mesh,
        out_type=jax.ShapeDtypeStruct((B, D), jnp.float32),
        scratch_types=[
            pltpu.VMEM((b_per_w,), jnp.int32),
            pltpu.SemaphoreType.DMA,
        ],
    )
    def emb(labels_hbm, table_hbm, out_hbm, idx_v, sem):
        wid = lax.axis_index("s") * NUM_CORES + lax.axis_index("c")
        base = wid * b_per_w
        pltpu.sync_copy(labels_hbm.at[pl.ds(base, b_per_w)], idx_v)

        def body(j, carry):
            v = idx_v[pl.ds(j * 16, 16)]
            for k in range(16):
                pltpu.make_async_copy(
                    table_hbm.at[v[k]], out_hbm.at[base + j * 16 + k], sem
                ).start()
            return carry

        lax.fori_loop(0, b_per_w // 16, body, 0)
        pltpu.make_async_copy(
            table_hbm.at[pl.ds(0, b_per_w)],
            out_hbm.at[pl.ds(base, b_per_w)],
            sem,
        ).wait()

    return emb(labels.astype(jnp.int32), embedding_table)

# --- scband reference (transcript-rebuilt; emitter-appended) ---
"""Pipeline reference for scband-label-embedder-10840497455150 (READ-ONLY COPY).

The authoritative reference and input builder live on the scoring server;
editing this copy changes nothing except your own understanding.
"""

import jax, jax.numpy as jnp
import numpy as np

NUM_CLASSES = 1000000
HIDDEN_SIZE = 64
BATCH = 16384

def setup_inputs(seed: int = 0) -> dict:
    key = jax.random.key(seed)
    k_lab, k_tab = jax.random.split(key)
    labels = jax.random.randint(k_lab, (BATCH,), 0, NUM_CLASSES, dtype=jnp.int64) if jax.config.jax_enable_x64 else jax.random.randint(k_lab, (BATCH,), 0, NUM_CLASSES, dtype=jnp.int32)
    # embedding table has num_classes + 1 rows (extra row for CFG null label)
    embedding_table = jax.random.normal(k_tab, (NUM_CLASSES + 1, HIDDEN_SIZE), dtype=jnp.float32)
    return {"labels": labels, "embedding_table": embedding_table}

def reference(labels, embedding_table):
    # Faithful translation of nn.Embedding lookup: embeddings = table[labels]
    embeddings = jnp.take(embedding_table, labels, axis=0)
    return embeddings

if __name__ == "__main__":
    import jax
    _d = setup_inputs()
    print(jax.jit(kernel)(*tuple(_d.values())))

</pallas_src>

<mosaic_0001>
#map = affine_map<(d0, d1) -> (0)>
#map1 = affine_map<(d0, d1) -> (0, 0)>
module attributes {stable_mosaic.version = 14 : i64} {
  func.func @emb(%arg0: i32, %arg1: i32, %arg2: memref<16384xi32, #tpu.memory_space<hbm>>, %arg3: memref<1000001x64xf32, #tpu.memory_space<hbm>>, %arg4: memref<16384x64xf32, #tpu.memory_space<hbm>>, %arg5: memref<512xi32, #tpu.memory_space<vmem>>, %arg6: memref<!tpu.dma_semaphore, #tpu.memory_space<semaphore_mem>>) attributes {dimension_semantics = [#tpu.dimension_semantics<core_parallel>, #tpu.dimension_semantics<subcore_parallel>], iteration_bounds = array<i64: 2, 16>, scalar_prefetch = 0 : i64, scratch_operands = 2 : i64, tpu.core_type = #tpu.core_type<sc_vector_subcore>, window_params = [{transform_indices = #map}, {transform_indices = #map1}, {transform_indices = #map1}]} {
    %mul3A = arith.constant 2 : i32
    %mul3A_0 = arith.muli %arg1, %mul3A : i32
    %add3A = arith.addi %mul3A_0, %arg0 : i32
    %mul3A_1 = arith.constant 512 : i32
    %mul3A_2 = arith.muli %add3A, %mul3A_1 : i32
    "tpu.region"() ({
      %run_scoped3A = tpu.sem_alloc : memref<!tpu.dma_semaphore, #tpu.memory_space<semaphore_mem>>
      %dma_start3A = tpu.memref_slice %arg2[%mul3A_2] : memref<16384xi32, #tpu.memory_space<hbm>> -> memref<512xi32, #tpu.memory_space<hbm>>
      %dma_start3A_12 = tpu.memref_slice %arg2[%mul3A_2] : memref<16384xi32, #tpu.memory_space<hbm>> -> memref<512xi32, #tpu.memory_space<hbm>>
      tpu.enqueue_dma source(%dma_start3A_12 : memref<512xi32, #tpu.memory_space<hbm>>) target(%arg5 : memref<512xi32, #tpu.memory_space<vmem>>) target_semaphore(%run_scoped3A : memref<!tpu.dma_semaphore, #tpu.memory_space<semaphore_mem>>)
      %dma_wait3A_13 = tpu.memref_slice %arg2[%mul3A_2] : memref<16384xi32, #tpu.memory_space<hbm>> -> memref<512xi32, #tpu.memory_space<hbm>>
      %dma_wait3A_14 = tpu.memref_slice %arg2[%mul3A_2] : memref<16384xi32, #tpu.memory_space<hbm>> -> memref<512xi32, #tpu.memory_space<hbm>>
      tpu.wait_dma2 semaphore(%run_scoped3A : memref<!tpu.dma_semaphore, #tpu.memory_space<semaphore_mem>>) src(%dma_wait3A_14 : memref<512xi32, #tpu.memory_space<hbm>>) dst(%arg5 : memref<512xi32, #tpu.memory_space<vmem>>)
      tpu.yield
    }) : () -> ()
    %scan3A = arith.constant 0 : i32
    %scan3A_3 = arith.constant 0 : i32
    %scan3A_4 = arith.constant 32 : i32
    %scan3A_5 = arith.addi %scan3A_3, %scan3A_4 : i32
    %scan3A_6 = arith.constant 1 : i32
    scf.for %scan3A_12 = %scan3A_3 to %scan3A_5 step %scan3A_6  : i32 {
      %mul3A_13 = arith.constant 16 : i32
      %mul3A_14 = arith.muli %scan3A_12, %mul3A_13 : i32
      %get3A = arith.index_cast %mul3A_14 : i32 to index
      %get3A_15 = tpu.vector_load %arg5[%get3A] {strides = array<i32>} : memref<512xi32, #tpu.memory_space<vmem>>, vector<16xi32>,
      %get3A_16 = vector.shape_cast %get3A_15 : vector<16xi32> to vector<16xi32>
      %slice3A = vector.extract_strided_slice %get3A_16 {offsets = [0], sizes = [1], strides = [1]} : vector<16xi32> to vector<1xi32>
      %squeeze3A = vector.extract %slice3A[0] : i32 from vector<1xi32>
      %mul3A_17 = arith.constant 16 : i32
      %mul3A_18 = arith.muli %scan3A_12, %mul3A_17 : i32
      %add3A_19 = arith.addi %mul3A_2, %mul3A_18 : i32
      %add3A_20 = arith.constant 0 : i32
      %add3A_21 = arith.addi %add3A_19, %add3A_20 : i32
      %dma_start3A = arith.constant 0 : i32
      %dma_start3A_22 = tpu.memref_slice %arg4[%add3A_21, %dma_start3A] : memref<16384x64xf32, #tpu.memory_space<hbm>> -> memref<1x64xf32, #tpu.memory_space<hbm>>
      %dma_start3A_23 = tpu.memref_squeeze %dma_start3A_22 : memref<1x64xf32, #tpu.memory_space<hbm>> -> memref<64xf32, #tpu.memory_space<hbm>>
      %dma_start3A_24 = arith.constant 0 : i32
      %dma_start3A_25 = tpu.memref_slice %arg3[%squeeze3A, %dma_start3A_24] : memref<1000001x64xf32, #tpu.memory_space<hbm>> -> memref<1x64xf32, #tpu.memory_space<hbm>>
      %dma_start3A_26 = tpu.memref_squeeze %dma_start3A_25 : memref<1x64xf32, #tpu.memory_space<hbm>> -> memref<64xf32, #tpu.memory_space<hbm>>
      tpu.enqueue_dma source(%dma_start3A_26 : memref<64xf32, #tpu.memory_space<hbm>>) target(%dma_start3A_23 : memref<64xf32, #tpu.memory_space<hbm>>) target_semaphore(%arg6 : memref<!tpu.dma_semaphore, #tpu.memory_space<semaphore_mem>>)
      %slice3A_27 = vector.extract_strided_slice %get3A_16 {offsets = [1], sizes = [1], strides = [1]} : vector<16xi32> to vector<1xi32>
      %squeeze3A_28 = vector.extract %slice3A_27[0] : i32 from vector<1xi32>
      %mul3A_29 = arith.constant 16 : i32
      %mul3A_30 = arith.muli %scan3A_12, %mul3A_29 : i32
      %add3A_31 = arith.addi %mul3A_2, %mul3A_30 : i32
      %add3A_32 = arith.constant 1 : i32
      %add3A_33 = arith.addi %add3A_31, %add3A_32 : i32
      %dma_start3A_34 = arith.constant 0 : i32
      %dma_start3A_35 = tpu.memref_slice %arg4[%add3A_33, %dma_start3A_34] : memref<16384x64xf32, #tpu.memory_space<hbm>> -> memref<1x64xf32, #tpu.memory_space<hbm>>
      %dma_start3A_36 = tpu.memref_squeeze %dma_start3A_35 : memref<1x64xf32, #tpu.memory_space<hbm>> -> memref<64xf32, #tpu.memory_space<hbm>>
      %dma_start3A_37 = arith.constant 0 : i32
      %dma_start3A_38 = tpu.memref_slice %arg3[%squeeze3A_28, %dma_start3A_37] : memref<1000001x64xf32, #tpu.memory_space<hbm>> -> memref<1x64xf32, #tpu.memory_space<hbm>>
      %dma_start3A_39 = tpu.memref_squeeze %dma_start3A_38 : memref<1x64xf32, #tpu.memory_space<hbm>> -> memref<64xf32, #tpu.memory_space<hbm>>
      tpu.enqueue_dma source(%dma_start3A_39 : memref<64xf32, #tpu.memory_space<hbm>>) target(%dma_start3A_36 : memref<64xf32, #tpu.memory_space<hbm>>) target_semaphore(%arg6 : memref<!tpu.dma_semaphore, #tpu.memory_space<semaphore_mem>>)
      %slice3A_40 = vector.extract_strided_slice %get3A_16 {offsets = [2], sizes = [1], strides = [1]} : vector<16xi32> to vector<1xi32>
      %squeeze3A_41 = vector.extract %slice3A_40[0] : i32 from vector<1xi32>
      %mul3A_42 = arith.constant 16 : i32
      %mul3A_43 = arith.muli %scan3A_12, %mul3A_42 : i32
      %add3A_44 = arith.addi %mul3A_2, %mul3A_43 : i32
      %add3A_45 = arith.constant 2 : i32
      %add3A_46 = arith.addi %add3A_44, %add3A_45 : i32
      %dma_start3A_47 = arith.constant 0 : i32
      %dma_start3A_48 = tpu.memref_slice %arg4[%add3A_46, %dma_start3A_47] : memref<16384x64xf32, #tpu.memory_space<hbm>> -> memref<1x64xf32, #tpu.memory_space<hbm>>
      %dma_start3A_49 = tpu.memref_squeeze %dma_start3A_48 : memref<1x64xf32, #tpu.memory_space<hbm>> -> memref<64xf32, #tpu.memory_space<hbm>>
      %dma_start3A_50 = arith.constant 0 : i32
      %dma_start3A_51 = tpu.memref_slice %arg3[%squeeze3A_41, %dma_start3A_50] : memref<1000001x64xf32, #tpu.memory_space<hbm>> -> memref<1x64xf32, #tpu.memory_space<hbm>>
      %dma_start3A_52 = tpu.memref_squeeze %dma_start3A_51 : memref<1x64xf32, #tpu.memory_space<hbm>> -> memref<64xf32, #tpu.memory_space<hbm>>
      tpu.enqueue_dma source(%dma_start3A_52 : memref<64xf32, #tpu.memory_space<hbm>>) target(%dma_start3A_49 : memref<64xf32, #tpu.memory_space<hbm>>) target_semaphore(%arg6 : memref<!tpu.dma_semaphore, #tpu.memory_space<semaphore_mem>>)
      %slice3A_53 = vector.extract_strided_slice %get3A_16 {offsets = [3], sizes = [1], strides = [1]} : vector<16xi32> to vector<1xi32>
      %squeeze3A_54 = vector.extract %slice3A_53[0] : i32 from vector<1xi32>
      %mul3A_55 = arith.constant 16 : i32
      %mul3A_56 = arith.muli %scan3A_12, %mul3A_55 : i32
      %add3A_57 = arith.addi %mul3A_2, %mul3A_56 : i32
      %add3A_58 = arith.constant 3 : i32
      %add3A_59 = arith.addi %add3A_57, %add3A_58 : i32
      %dma_start3A_60 = arith.constant 0 : i32
      %dma_start3A_61 = tpu.memref_slice %arg4[%add3A_59, %dma_start3A_60] : memref<16384x64xf32, #tpu.memory_space<hbm>> -> memref<1x64xf32, #tpu.memory_space<hbm>>
      %dma_start3A_62 = tpu.memref_squeeze %dma_start3A_61 : memref<1x64xf32, #tpu.memory_space<hbm>> -> memref<64xf32, #tpu.memory_space<hbm>>
      %dma_start3A_63 = arith.constant 0 : i32
      %dma_start3A_64 = tpu.memref_slice %arg3[%squeeze3A_54, %dma_start3A_63] : memref<1000001x64xf32, #tpu.memory_space<hbm>> -> memref<1x64xf32, #tpu.memory_space<hbm>>
      %dma_start3A_65 = tpu.memref_squeeze %dma_start3A_64 : memref<1x64xf32, #tpu.memory_space<hbm>> -> memref<64xf32, #tpu.memory_space<hbm>>
      tpu.enqueue_dma source(%dma_start3A_65 : memref<64xf32, #tpu.memory_space<hbm>>) target(%dma_start3A_62 : memref<64xf32, #tpu.memory_space<hbm>>) target_semaphore(%arg6 : memref<!tpu.dma_semaphore, #tpu.memory_space<semaphore_mem>>)
      %slice3A_66 = vector.extract_strided_slice %get3A_16 {offsets = [4], sizes = [1], strides = [1]} : vector<16xi32> to vector<1xi32>
      %squeeze3A_67 = vector.extract %slice3A_66[0] : i32 from vector<1xi32>
      %mul3A_68 = arith.constant 16 : i32
      %mul3A_69 = arith.muli %scan3A_12, %mul3A_68 : i32
      %add3A_70 = arith.addi %mul3A_2, %mul3A_69 : i32
      %add3A_71 = arith.constant 4 : i32
      %add3A_72 = arith.addi %add3A_70, %add3A_71 : i32
      %dma_start3A_73 = arith.constant 0 : i32
      %dma_start3A_74 = tpu.memref_slice %arg4[%add3A_72, %dma_start3A_73] : memref<16384x64xf32, #tpu.memory_space<hbm>> -> memref<1x64xf32, #tpu.memory_space<hbm>>
      %dma_start3A_75 = tpu.memref_squeeze %dma_start3A_74 : memref<1x64xf32, #tpu.memory_space<hbm>> -> memref<64xf32, #tpu.memory_space<hbm>>
      %dma_start3A_76 = arith.constant 0 : i32
      %dma_start3A_77 = tpu.memref_slice %arg3[%squeeze3A_67, %dma_start3A_76] : memref<1000001x64xf32, #tpu.memory_space<hbm>> -> memref<1x64xf32, #tpu.memory_space<hbm>>
      %dma_start3A_78 = tpu.memref_squeeze %dma_start3A_77 : memref<1x64xf32, #tpu.memory_space<hbm>> -> memref<64xf32, #tpu.memory_space<hbm>>
      tpu.enqueue_dma source(%dma_start3A_78 : memref<64xf32, #tpu.memory_space<hbm>>) target(%dma_start3A_75 : memref<64xf32, #tpu.memory_space<hbm>>) target_semaphore(%arg6 : memref<!tpu.dma_semaphore, #tpu.memory_space<semaphore_mem>>)
      %slice3A_79 = vector.extract_strided_slice %get3A_16 {offsets = [5], sizes = [1], strides = [1]} : vector<16xi32> to vector<1xi32>
      %squeeze3A_80 = vector.extract %slice3A_79[0] : i32 from vector<1xi32>
      %mul3A_81 = arith.constant 16 : i32
      %mul3A_82 = arith.muli %scan3A_12, %mul3A_81 : i32
      %add3A_83 = arith.addi %mul3A_2, %mul3A_82 : i32
      %add3A_84 = arith.constant 5 : i32
      %add3A_85 = arith.addi %add3A_83, %add3A_84 : i32
      %dma_start3A_86 = arith.constant 0 : i32
      %dma_start3A_87 = tpu.memref_slice %arg4[%add3A_85, %dma_start3A_86] : memref<16384x64xf32, #tpu.memory_space<hbm>> -> memref<1x64xf32, #tpu.memory_space<hbm>>
      %dma_start3A_88 = tpu.memref_squeeze %dma_start3A_87 : memref<1x64xf32, #tpu.memory_space<hbm>> -> memref<64xf32, #tpu.memory_space<hbm>>
      %dma_start3A_89 = arith.constant 0 : i32
      %dma_start3A_90 = tpu.memref_slice %arg3[%squeeze3A_80, %dma_start3A_89] : memref<1000001x64xf32, #tpu.memory_space<hbm>> -> memref<1x64xf32, #tpu.memory_space<hbm>>
      %dma_start3A_91 = tpu.memref_squeeze %dma_start3A_90 : memref<1x64xf32, #tpu.memory_space<hbm>> -> memref<64xf32, #tpu.memory_space<hbm>>
      tpu.enqueue_dma source(%dma_start3A_91 : memref<64xf32, #tpu.memory_space<hbm>>) target(%dma_start3A_88 : memref<64xf32, #tpu.memory_space<hbm>>) target_semaphore(%arg6 : memref<!tpu.dma_semaphore, #tpu.memory_space<semaphore_mem>>)
      %slice3A_92 = vector.extract_strided_slice %get3A_16 {offsets = [6], sizes = [1], strides = [1]} : vector<16xi32> to vector<1xi32>
      %squeeze3A_93 = vector.extract %slice3A_92[0] : i32 from vector<1xi32>
      %mul3A_94 = arith.constant 16 : i32
      %mul3A_95 = arith.muli %scan3A_12, %mul3A_94 : i32
      %add3A_96 = arith.addi %mul3A_2, %mul3A_95 : i32
      %add3A_97 = arith.constant 6 : i32
      %add3A_98 = arith.addi %add3A_96, %add3A_97 : i32
      %dma_start3A_99 = arith.constant 0 : i32
      %dma_start3A_100 = tpu.memref_slice %arg4[%add3A_98, %dma_start3A_99] : memref<16384x64xf32, #tpu.memory_space<hbm>> -> memref<1x64xf32, #tpu.memory_space<hbm>>
      %dma_start3A_101 = tpu.memref_squeeze %dma_start3A_100 : memref<1x64xf32, #tpu.memory_space<hbm>> -> memref<64xf32, #tpu.memory_space<hbm>>
      %dma_start3A_102 = arith.constant 0 : i32
      %dma_start3A_103 = tpu.memref_slice %arg3[%squeeze3A_93, %dma_start3A_102] : memref<1000001x64xf32, #tpu.memory_space<hbm>> -> memref<1x64xf32, #tpu.memory_space<hbm>>
      %dma_start3A_104 = tpu.memref_squeeze %dma_start3A_103 : memref<1x64xf32, #tpu.memory_space<hbm>> -> memref<64xf32, #tpu.memory_space<hbm>>
      tpu.enqueue_dma source(%dma_start3A_104 : memref<64xf32, #tpu.memory_space<hbm>>) target(%dma_start3A_101 : memref<64xf32, #tpu.memory_space<hbm>>) target_semaphore(%arg6 : memref<!tpu.dma_semaphore, #tpu.memory_space<semaphore_mem>>)
      %slice3A_105 = vector.extract_strided_slice %get3A_16 {offsets = [7], sizes = [1], strides = [1]} : vector<16xi32> to vector<1xi32>
      %squeeze3A_106 = vector.extract %slice3A_105[0] : i32 from vector<1xi32>
      %mul3A_107 = arith.constant 16 : i32
      %mul3A_108 = arith.muli %scan3A_12, %mul3A_107 : i32
      %add3A_109 = arith.addi %mul3A_2, %mul3A_108 : i32
      %add3A_110 = arith.constant 7 : i32
      %add3A_111 = arith.addi %add3A_109, %add3A_110 : i32
      %dma_start3A_112 = arith.constant 0 : i32
      %dma_start3A_113 = tpu.memref_slice %arg4[%add3A_111, %dma_start3A_112] : memref<16384x64xf32, #tpu.memory_space<hbm>> -> memref<1x64xf32, #tpu.memory_space<hbm>>
      %dma_start3A_114 = tpu.memref_squeeze %dma_start3A_113 : memref<1x64xf32, #tpu.memory_space<hbm>> -> memref<64xf32, #tpu.memory_space<hbm>>
      %dma_start3A_115 = arith.constant 0 : i32
      %dma_start3A_116 = tpu.memref_slice %arg3[%squeeze3A_106, %dma_start3A_115] : memref<1000001x64xf32, #tpu.memory_space<hbm>> -> memref<1x64xf32, #tpu.memory_space<hbm>>
      %dma_start3A_117 = tpu.memref_squeeze %dma_start3A_116 : memref<1x64xf32, #tpu.memory_space<hbm>> -> memref<64xf32, #tpu.memory_space<hbm>>
      tpu.enqueue_dma source(%dma_start3A_117 : memref<64xf32, #tpu.memory_space<hbm>>) target(%dma_start3A_114 : memref<64xf32, #tpu.memory_space<hbm>>) target_semaphore(%arg6 : memref<!tpu.dma_semaphore, #tpu.memory_space<semaphore_mem>>)
      %slice3A_118 = vector.extract_strided_slice %get3A_16 {offsets = [8], sizes = [1], strides = [1]} : vector<16xi32> to vector<1xi32>
      %squeeze3A_119 = vector.extract %slice3A_118[0] : i32 from vector<1xi32>
      %mul3A_120 = arith.constant 16 : i32
      %mul3A_121 = arith.muli %scan3A_12, %mul3A_120 : i32
      %add3A_122 = arith.addi %mul3A_2, %mul3A_121 : i32
      %add3A_123 = arith.constant 8 : i32
      %add3A_124 = arith.addi %add3A_122, %add3A_123 : i32
      %dma_start3A_125 = arith.constant 0 : i32
      %dma_start3A_126 = tpu.memref_slice %arg4[%add3A_124, %dma_start3A_125] : memref<16384x64xf32, #tpu.memory_space<hbm>> -> memref<1x64xf32, #tpu.memory_space<hbm>>
      %dma_start3A_127 = tpu.memref_squeeze %dma_start3A_126 : memref<1x64xf32, #tpu.memory_space<hbm>> -> memref<64xf32, #tpu.memory_space<hbm>>
      %dma_start3A_128 = arith.constant 0 : i32
      %dma_start3A_129 = tpu.memref_slice %arg3[%squeeze3A_119, %dma_start3A_128] : memref<1000001x64xf32, #tpu.memory_space<hbm>> -> memref<1x64xf32, #tpu.memory_space<hbm>>
      %dma_start3A_130 = tpu.memref_squeeze %dma_start3A_129 : memref<1x64xf32, #tpu.memory_space<hbm>> -> memref<64xf32, #tpu.memory_space<hbm>>
      tpu.enqueue_dma source(%dma_start3A_130 : memref<64xf32, #tpu.memory_space<hbm>>) target(%dma_start3A_127 : memref<64xf32, #tpu.memory_space<hbm>>) target_semaphore(%arg6 : memref<!tpu.dma_semaphore, #tpu.memory_space<semaphore_mem>>)
      %slice3A_131 = vector.extract_strided_slice %get3A_16 {offsets = [9], sizes = [1], strides = [1]} : vector<16xi32> to vector<1xi32>
      %squeeze3A_132 = vector.extract %slice3A_131[0] : i32 from vector<1xi32>
      %mul3A_133 = arith.constant 16 : i32
      %mul3A_134 = arith.muli %scan3A_12, %mul3A_133 : i32
      %add3A_135 = arith.addi %mul3A_2, %mul3A_134 : i32
      %add3A_136 = arith.constant 9 : i32
      %add3A_137 = arith.addi %add3A_135, %add3A_136 : i32
      %dma_start3A_138 = arith.constant 0 : i32
      %dma_start3A_139 = tpu.memref_slice %arg4[%add3A_137, %dma_start3A_138] : memref<16384x64xf32, #tpu.memory_space<hbm>> -> memref<1x64xf32, #tpu.memory_space<hbm>>
      %dma_start3A_140 = tpu.memref_squeeze %dma_start3A_139 : memref<1x64xf32, #tpu.memory_space<hbm>> -> memref<64xf32, #tpu.memory_space<hbm>>
      %dma_start3A_141 = arith.constant 0 : i32
      %dma_start3A_142 = tpu.memref_slice %arg3[%squeeze3A_132, %dma_start3A_141] : memref<1000001x64xf32, #tpu.memory_space<hbm>> -> memref<1x64xf32, #tpu.memory_space<hbm>>
      %dma_start3A_143 = tpu.memref_squeeze %dma_start3A_142 : memref<1x64xf32, #tpu.memory_space<hbm>> -> memref<64xf32, #tpu.memory_space<hbm>>
      tpu.enqueue_dma source(%dma_start3A_143 : memref<64xf32, #tpu.memory_space<hbm>>) target(%dma_start3A_140 : memref<64xf32, #tpu.memory_space<hbm>>) target_semaphore(%arg6 : memref<!tpu.dma_semaphore, #tpu.memory_space<semaphore_mem>>)
      %slice3A_144 = vector.extract_strided_slice %get3A_16 {offsets = [10], sizes = [1], strides = [1]} : vector<16xi32> to vector<1xi32>
      %squeeze3A_145 = vector.extract %slice3A_144[0] : i32 from vector<1xi32>
      %mul3A_146 = arith.constant 16 : i32
      %mul3A_147 = arith.muli %scan3A_12, %mul3A_146 : i32
      %add3A_148 = arith.addi %mul3A_2, %mul3A_147 : i32
      %add3A_149 = arith.constant 10 : i32
      %add3A_150 = arith.addi %add3A_148, %add3A_149 : i32
      %dma_start3A_151 = arith.constant 0 : i32
      %dma_start3A_152 = tpu.memref_slice %arg4[%add3A_150, %dma_start3A_151] : memref<16384x64xf32, #tpu.memory_space<hbm>> -> memref<1x64xf32, #tpu.memory_space<hbm>>
      %dma_start3A_153 = tpu.memref_squeeze %dma_start3A_152 : memref<1x64xf32, #tpu.memory_space<hbm>> -> memref<64xf32, #tpu.memory_space<hbm>>
      %dma_start3A_154 = arith.constant 0 : i32
      %dma_start3A_155 = tpu.memref_slice %arg3[%squeeze3A_145, %dma_start3A_154] : memref<1000001x64xf32, #tpu.memory_space<hbm>> -> memref<1x64xf32, #tpu.memory_space<hbm>>
      %dma_start3A_156 = tpu.memref_squeeze %dma_start3A_155 : memref<1x64xf32, #tpu.memory_space<hbm>> -> memref<64xf32, #tpu.memory_space<hbm>>
      tpu.enqueue_dma source(%dma_start3A_156 : memref<64xf32, #tpu.memory_space<hbm>>) target(%dma_start3A_153 : memref<64xf32, #tpu.memory_space<hbm>>) target_semaphore(%arg6 : memref<!tpu.dma_semaphore, #tpu.memory_space<semaphore_mem>>)
      %slice3A_157 = vector.extract_strided_slice %get3A_16 {offsets = [11], sizes = [1], strides = [1]} : vector<16xi32> to vector<1xi32>
      %squeeze3A_158 = vector.extract %slice3A_157[0] : i32 from vector<1xi32>
      %mul3A_159 = arith.constant 16 : i32
      %mul3A_160 = arith.muli %scan3A_12, %mul3A_159 : i32
      %add3A_161 = arith.addi %mul3A_2, %mul3A_160 : i32
      %add3A_162 = arith.constant 11 : i32
      %add3A_163 = arith.addi %add3A_161, %add3A_162 : i32
      %dma_start3A_164 = arith.constant 0 : i32
      %dma_start3A_165 = tpu.memref_slice %arg4[%add3A_163, %dma_start3A_164] : memref<16384x64xf32, #tpu.memory_space<hbm>> -> memref<1x64xf32, #tpu.memory_space<hbm>>
      %dma_start3A_166 = tpu.memref_squeeze %dma_start3A_165 : memref<1x64xf32, #tpu.memory_space<hbm>> -> memref<64xf32, #tpu.memory_space<hbm>>
      %dma_start3A_167 = arith.constant 0 : i32
      %dma_start3A_168 = tpu.memref_slice %arg3[%squeeze3A_158, %dma_start3A_167] : memref<1000001x64xf32, #tpu.memory_space<hbm>> -> memref<1x64xf32, #tpu.memory_space<hbm>>
      %dma_start3A_169 = tpu.memref_squeeze %dma_start3A_168 : memref<1x64xf32, #tpu.memory_space<hbm>> -> memref<64xf32, #tpu.memory_space<hbm>>
      tpu.enqueue_dma source(%dma_start3A_169 : memref<64xf32, #tpu.memory_space<hbm>>) target(%dma_start3A_166 : memref<64xf32, #tpu.memory_space<hbm>>) target_semaphore(%arg6 : memref<!tpu.dma_semaphore, #tpu.memory_space<semaphore_mem>>)
      %slice3A_170 = vector.extract_strided_slice %get3A_16 {offsets = [12], sizes = [1], strides = [1]} : vector<16xi32> to vector<1xi32>
      %squeeze3A_171 = vector.extract %slice3A_170[0] : i32 from vector<1xi32>
      %mul3A_172 = arith.constant 16 : i32
      %mul3A_173 = arith.muli %scan3A_12, %mul3A_172 : i32
      %add3A_174 = arith.addi %mul3A_2, %mul3A_173 : i32
      %add3A_175 = arith.constant 12 : i32
      %add3A_176 = arith.addi %add3A_174, %add3A_175 : i32
      %dma_start3A_177 = arith.constant 0 : i32
      %dma_start3A_178 = tpu.memref_slice %arg4[%add3A_176, %dma_start3A_177] : memref<16384x64xf32, #tpu.memory_space<hbm>> -> memref<1x64xf32, #tpu.memory_space<hbm>>
      %dma_start3A_179 = tpu.memref_squeeze %dma_start3A_178 : memref<1x64xf32, #tpu.memory_space<hbm>> -> memref<64xf32, #tpu.memory_space<hbm>>
      %dma_start3A_180 = arith.constant 0 : i32
      %dma_start3A_181 = tpu.memref_slice %arg3[%squeeze3A_171, %dma_start3A_180] : memref<1000001x64xf32, #tpu.memory_space<hbm>> -> memref<1x64xf32, #tpu.memory_space<hbm>>
      %dma_start3A_182 = tpu.memref_squeeze %dma_start3A_181 : memref<1x64xf32, #tpu.memory_space<hbm>> -> memref<64xf32, #tpu.memory_space<hbm>>
      tpu.enqueue_dma source(%dma_start3A_182 : memref<64xf32, #tpu.memory_space<hbm>>) target(%dma_start3A_179 : memref<64xf32, #tpu.memory_space<hbm>>) target_semaphore(%arg6 : memref<!tpu.dma_semaphore, #tpu.memory_space<semaphore_mem>>)
      %slice3A_183 = vector.extract_strided_slice %get3A_16 {offsets = [13], sizes = [1], strides = [1]} : vector<16xi32> to vector<1xi32>
      %squeeze3A_184 = vector.extract %slice3A_183[0] : i32 from vector<1xi32>
      %mul3A_185 = arith.constant 16 : i32
      %mul3A_186 = arith.muli %scan3A_12, %mul3A_185 : i32
      %add3A_187 = arith.addi %mul3A_2, %mul3A_186 : i32
      %add3A_188 = arith.constant 13 : i32
      %add3A_189 = arith.addi %add3A_187, %add3A_188 : i32
      %dma_start3A_190 = arith.constant 0 : i32
      %dma_start3A_191 = tpu.memref_slice %arg4[%add3A_189, %dma_start3A_190] : memref<16384x64xf32, #tpu.memory_space<hbm>> -> memref<1x64xf32, #tpu.memory_space<hbm>>
      %dma_start3A_192 = tpu.memref_squeeze %dma_start3A_191 : memref<1x64xf32, #tpu.memory_space<hbm>> -> memref<64xf32, #tpu.memory_space<hbm>>
      %dma_start3A_193 = arith.constant 0 : i32
      %dma_start3A_194 = tpu.memref_slice %arg3[%squeeze3A_184, %dma_start3A_193] : memref<1000001x64xf32, #tpu.memory_space<hbm>> -> memref<1x64xf32, #tpu.memory_space<hbm>>
      %dma_start3A_195 = tpu.memref_squeeze %dma_start3A_194 : memref<1x64xf32, #tpu.memory_space<hbm>> -> memref<64xf32, #tpu.memory_space<hbm>>
      tpu.enqueue_dma source(%dma_start3A_195 : memref<64xf32, #tpu.memory_space<hbm>>) target(%dma_start3A_192 : memref<64xf32, #tpu.memory_space<hbm>>) target_semaphore(%arg6 : memref<!tpu.dma_semaphore, #tpu.memory_space<semaphore_mem>>)
      %slice3A_196 = vector.extract_strided_slice %get3A_16 {offsets = [14], sizes = [1], strides = [1]} : vector<16xi32> to vector<1xi32>
      %squeeze3A_197 = vector.extract %slice3A_196[0] : i32 from vector<1xi32>
      %mul3A_198 = arith.constant 16 : i32
      %mul3A_199 = arith.muli %scan3A_12, %mul3A_198 : i32
      %add3A_200 = arith.addi %mul3A_2, %mul3A_199 : i32
      %add3A_201 = arith.constant 14 : i32
      %add3A_202 = arith.addi %add3A_200, %add3A_201 : i32
      %dma_start3A_203 = arith.constant 0 : i32
      %dma_start3A_204 = tpu.memref_slice %arg4[%add3A_202, %dma_start3A_203] : memref<16384x64xf32, #tpu.memory_space<hbm>> -> memref<1x64xf32, #tpu.memory_space<hbm>>
      %dma_start3A_205 = tpu.memref_squeeze %dma_start3A_204 : memref<1x64xf32, #tpu.memory_space<hbm>> -> memref<64xf32, #tpu.memory_space<hbm>>
      %dma_start3A_206 = arith.constant 0 : i32
      %dma_start3A_207 = tpu.memref_slice %arg3[%squeeze3A_197, %dma_start3A_206] : memref<1000001x64xf32, #tpu.memory_space<hbm>> -> memref<1x64xf32, #tpu.memory_space<hbm>>
      %dma_start3A_208 = tpu.memref_squeeze %dma_start3A_207 : memref<1x64xf32, #tpu.memory_space<hbm>> -> memref<64xf32, #tpu.memory_space<hbm>>
      tpu.enqueue_dma source(%dma_start3A_208 : memref<64xf32, #tpu.memory_space<hbm>>) target(%dma_start3A_205 : memref<64xf32, #tpu.memory_space<hbm>>) target_semaphore(%arg6 : memref<!tpu.dma_semaphore, #tpu.memory_space<semaphore_mem>>)
      %slice3A_209 = vector.extract_strided_slice %get3A_16 {offsets = [15], sizes = [1], strides = [1]} : vector<16xi32> to vector<1xi32>
      %squeeze3A_210 = vector.extract %slice3A_209[0] : i32 from vector<1xi32>
      %mul3A_211 = arith.constant 16 : i32
      %mul3A_212 = arith.muli %scan3A_12, %mul3A_211 : i32
      %add3A_213 = arith.addi %mul3A_2, %mul3A_212 : i32
      %add3A_214 = arith.constant 15 : i32
      %add3A_215 = arith.addi %add3A_213, %add3A_214 : i32
      %dma_start3A_216 = arith.constant 0 : i32
      %dma_start3A_217 = tpu.memref_slice %arg4[%add3A_215, %dma_start3A_216] : memref<16384x64xf32, #tpu.memory_space<hbm>> -> memref<1x64xf32, #tpu.memory_space<hbm>>
      %dma_start3A_218 = tpu.memref_squeeze %dma_start3A_217 : memref<1x64xf32, #tpu.memory_space<hbm>> -> memref<64xf32, #tpu.memory_space<hbm>>
      %dma_start3A_219 = arith.constant 0 : i32
      %dma_start3A_220 = tpu.memref_slice %arg3[%squeeze3A_210, %dma_start3A_219] : memref<1000001x64xf32, #tpu.memory_space<hbm>> -> memref<1x64xf32, #tpu.memory_space<hbm>>
      %dma_start3A_221 = tpu.memref_squeeze %dma_start3A_220 : memref<1x64xf32, #tpu.memory_space<hbm>> -> memref<64xf32, #tpu.memory_space<hbm>>
      tpu.enqueue_dma source(%dma_start3A_221 : memref<64xf32, #tpu.memory_space<hbm>>) target(%dma_start3A_218 : memref<64xf32, #tpu.memory_space<hbm>>) target_semaphore(%arg6 : memref<!tpu.dma_semaphore, #tpu.memory_space<semaphore_mem>>)
    }
    %scan3A_7 = arith.constant 32 : i32
    %dma_wait3A = arith.constant 0 : i32
    %dma_wait3A_8 = tpu.memref_slice %arg4[%mul3A_2, %dma_wait3A] : memref<16384x64xf32, #tpu.memory_space<hbm>> -> memref<512x64xf32, #tpu.memory_space<hbm>>
    %dma_wait3A_9 = arith.constant 0 : i32
    %dma_wait3A_10 = arith.constant 0 : i32
    %dma_wait3A_11 = tpu.memref_slice %arg3[%dma_wait3A_9, %dma_wait3A_10] : memref<1000001x64xf32, #tpu.memory_space<hbm>> -> memref<512x64xf32, #tpu.memory_space<hbm>>
    tpu.wait_dma2 semaphore(%arg6 : memref<!tpu.dma_semaphore, #tpu.memory_space<semaphore_mem>>) src(%dma_wait3A_11 : memref<512x64xf32, #tpu.memory_space<hbm>>) dst(%dma_wait3A_8 : memref<512x64xf32, #tpu.memory_space<hbm>>)
    return
  }
}

</mosaic_0001>

<sc_bundles>
// kernel: kernel.3.cloned.1.call-start
scs
__scs_entry_jumppad:
0x0: {  	(pc) =	sbr.rel $0x88, $3  }
0x1: {  	(tag) =	ssettag $0x0;
	lr =	simm.s32 $0x1  }
0x2: {  	[smem:$0x3F9F] =	sst lr;
	_ =	strace $0xD0000000  }
0x3: {  	_ = 	snop  }
0x4: {  	_ = 	snop  }
0x5: {  	_ = 	snop  }
0x6: {  	_ = 	snop  }
0x7: {  	_ = 	snop  }
__scs_overlays_trampoline_lowered:
0x8: {  	[smem:$0x3FAE] =	sst s0  }
0x9: {  	[smem:$0x3FAF] =	sst s1  }
0xa: {  	[smem:$0x3FB0] =	sst s2  }
0xb: {  	[smem:$0x3FB1] =	sst s3  }
0xc: {  	[smem:$0x3FB2] =	sst s4  }
0xd: {  	[smem:$0x3FB3] =	sst s5  }
0xe: {  	[smem:$0x3FB4] =	sst s6  }
0xf: {  	[smem:$0x3FB5] =	sst s7  }
0x10: {  	[smem:$0x3FB6] =	sst s8  }
0x11: {  	[smem:$0x3FB7] =	sst s9;
	s0 =	simm.s32 @!p0 $0x0  }
0x12: {  	s1 =	sld [smem:$0x3F9D];
	s0 =	simm.s32 @p0 $0x1  }
0x13: {  	[smem:$0x3FB8] =	sst s0;
	s0 =	simm.s32 @!p1 $0x0  }
0x14: {  	s2 =	sld [smem:$0x3F9C];
	s0 =	simm.s32 @p1 $0x1  }
0x15: {  	[smem:$0x3FB9] =	sst s0;
	s0 =	simm.s32 @!p2 $0x0  }
0x16: {  	s3 =	sld [smem:$0x3FDB];
	s0 =	simm.s32 @p2 $0x1  }
0x17: {  	s4 =	simm.s32 $0x1BF5;
	[smem:$0x3FBB] =	sst s0  }
0x18: {  	s0 =	sld [smem:$0x3F9E];
	_ =	swait.ge [sflag:s4], $0x0  }
0x19: {  	s7 =	sld [smem:$0x3F9F]  }
0x1a: {  	s8 =	sadd.s32 $0xFFFFE003, lr  }
0x1b: {  	s9 =	sadd.s32 $0xFFFFFEF7, lr;
	s5 =	simm.s32 $0xFFFFFFFF;
	p2 =	slt.u32 s8, $0xFFFFF086  }
0x1c: {  	p1 =	slt.u32 s9, $0xF7A;
	s5 =	simm.s32 @!p2 $0x0  }
0x1d: {  	s5 =	simm.s32 @p1 $0x1;
	p0 =	seq.s32 s7, s2  }
0x1e: {  	s7 =	smul.u32 @!p0 $0xF7A, s2;
	p2 =	seq.s32 @!p0 s5, $0x0  }
0x1f: {  	s9 =	smul.u32 $0xF7A, s1;
	s8 =	simm.s32 @!p0 $0x1BF5;
	p2 =	por !p2, p0  }
0x20: {  	[sflag:s8] =	ssyncset.s32 @!p0 $0xFFFFF086;
	s6 =	sadd.s32 @!p0 s3, s7;
	s7 =	simm.s32 @!p0 $0x108  }
0x21: {  	s3 =	sadd.s32 s3, s9;
	s6 =	sadd.s32 @!p0 $0x88, s6;
	s7 =	simm.s32 @p2 $0x1082  }
0x22: {  	[simem:s7], [sflag:s8] =	dma.local @!p0 [hbm:s6], $0xF7A  }
0x23: {  	s9 =	sor.u32 $0xD0000000, s2;
	s6 =	simm.s32 $0x108;
	_ =	swait.ge @!p0 [sflag:s8], $0x0  }
0x24: {  	s3 =	sadd.s32 $0x88, s3;
	s6 =	simm.s32 @!p1 $0x1082;
	[sflag:s4] =	ssyncset.s32 $0xFFFFF086  }
0x25: {  	[simem:s6], [sflag:s4] =	dma.local [hbm:s3], $0xF7A  }
0x26: {  	[smem:$0x3F9F] =	sst s1;
	(tag) =	ssettag s2;
	_ =	strace s9  }
0x27: {  	s1 =	sld [smem:$0x3FAF]  }
0x28: {  	s2 =	sld [smem:$0x3FB0]  }
0x29: {  	s4 =	sld [smem:$0x3FB2]  }
0x2a: {  	p0 =	seq.s32 s5, $0x0;
	s5 =	sld [smem:$0x3FB3]  }
0x2b: {  	s6 =	sld [smem:$0x3FB4]  }
0x2c: {  	s7 =	sld [smem:$0x3FB5]  }
0x2d: {  	s3 =	simm.s32 $0x108;
	s8 =	sld [smem:$0x3FB6]  }
0x2e: {  	s3 =	simm.s32 @!p0 $0x1082;
	s9 =	sld [smem:$0x3FB7]  }
0x2f: {  	lr =	sadd.s32 s0, s3;
	s0 =	sld [smem:$0x3FAE]  }
0x30: {  	s3 =	sld [smem:$0x3FB1]  }
0x31: {  	[smem:$0x3FBA] =	sst s10  }
0x32: {  	s10 =	sld [smem:$0x3FB8];
	_ =	sdelay $0x3  }
0x33: {  	p0 =	seq.s32 s10, $0x1;
	s10 =	sld [smem:$0x3FBA];
	_ =	sdelay $0x3  }
0x34: {  	[smem:$0x3FBA] =	sst s10  }
0x35: {  	s10 =	sld [smem:$0x3FB9];
	_ =	sdelay $0x3  }
0x36: {  	p1 =	seq.s32 s10, $0x1;
	s10 =	sld [smem:$0x3FBA];
	_ =	sdelay $0x3  }
0x37: {  	[smem:$0x3FBA] =	sst s10  }
0x38: {  	s10 =	sld [smem:$0x3FBB]  }
0x39: {  	_ = 	snop;
	(pc) =	sbr.ind lr, $3  }
0x3a: {  	_ = 	snop  }
0x3b: {  	_ = 	snop  }
0x3c: {  	p2 =	seq.s32 s10, $0x1;
	s10 =	sld [smem:$0x3FBA]  }
0x3d: {  	_ =	shalt  }
0x3e: {  	_ =	shalt  }
0x3f: {  	_ =	shalt  }
0x40: {  	_ =	shalt  }
0x41: {  	_ =	shalt  }
0x42: {  	_ =	shalt  }
0x43: {  	_ =	shalt  }
0x44: {  	_ =	shalt  }
0x45: {  	_ =	shalt  }
0x46: {  	_ =	shalt  }
0x47: {  	_ =	shalt  }
0x48: {  	_ =	shalt  }
0x49: {  	_ =	shalt  }
0x4a: {  	_ =	shalt  }
0x4b: {  	_ =	shalt  }
0x4c: {  	_ =	shalt  }
0x4d: {  	_ =	shalt  }
0x4e: {  	_ =	shalt  }
0x4f: {  	_ =	shalt  }
0x50: {  	_ =	shalt  }
0x51: {  	_ =	shalt  }
0x52: {  	_ =	shalt  }
0x53: {  	_ =	shalt  }
0x54: {  	_ =	shalt  }
0x55: {  	_ =	shalt  }
0x56: {  	_ =	shalt  }
0x57: {  	_ =	shalt  }
0x58: {  	_ =	shalt  }
0x59: {  	_ =	shalt  }
0x5a: {  	_ =	shalt  }
0x5b: {  	_ =	shalt  }
0x5c: {  	_ =	shalt  }
0x5d: {  	_ =	shalt  }
0x5e: {  	_ =	shalt  }
0x5f: {  	_ =	shalt  }
0x60: {  	_ =	shalt  }
0x61: {  	_ =	shalt  }
0x62: {  	_ =	shalt  }
0x63: {  	_ =	shalt  }
0x64: {  	_ =	shalt  }
0x65: {  	_ =	shalt  }
0x66: {  	_ =	shalt  }
0x67: {  	_ =	shalt  }
0x68: {  	_ =	shalt  }
0x69: {  	_ =	shalt  }
0x6a: {  	_ =	shalt  }
0x6b: {  	_ =	shalt  }
0x6c: {  	_ =	shalt  }
0x6d: {  	_ =	shalt  }
0x6e: {  	_ =	shalt  }
0x6f: {  	_ =	shalt  }
0x70: {  	_ =	shalt  }
0x71: {  	_ =	shalt  }
0x72: {  	_ =	shalt  }
0x73: {  	_ =	shalt  }
0x74: {  	_ =	shalt  }
0x75: {  	_ =	shalt  }
0x76: {  	_ =	shalt  }
0x77: {  	_ =	shalt  }
0x78: {  	_ =	shalt  }
0x79: {  	_ =	shalt  }
0x7a: {  	_ =	shalt  }
0x7b: {  	_ =	shalt  }
0x7c: {  	_ =	shalt  }
0x7d: {  	_ =	shalt  }
0x7e: {  	_ =	shalt  }
0x7f: {  	_ =	shalt  }
0x80: {  	_ =	shalt  }
0x81: {  	_ =	shalt  }
0x82: {  	_ =	shalt  }
0x83: {  	_ =	shalt  }
0x84: {  	_ =	shalt  }
0x85: {  	_ =	shalt  }
0x86: {  	_ =	shalt  }
0x87: {  	_ =	shalt  }
.Lfunc_end0:
.L_simem_size_0:
called_computation_lowered:
.L_overlay_start_0:
0x88: {  	s2 =	sld [smem:$0x3FD9]  }
0x89: {  	s3 =	sld [smem:$0x3FFE];
	_ =	sdelay $0x1  }
0x8a: {  	s1 =	srdreg.scid  }
0x8b: {  	s0 =	sand.u32 $0x1, s1  }
0x8c: {  	s17 =	sshll.u32 s0, $0xA;
	s2 =	sadd.s32 s3, s2  }
0x8d: {  	s2 =	sadd.s32 s2, s17  }
0x8e: {  	[smem:$0x3FC6] =	sst s2  }
0x8f: {  	_ = 	snop  }
0x90: {  	s2 =	sld [smem:$0x3FC9];
	(tm) =	ssettm $0x1  }
0x91: {  	s18 =	sld [smem:$0x3FFB];
	_ =	sdelay $0x3  }
0x92: {  	_ =	strace s18  }
0x93: {  	s3 =	sld [smem:$0x3FFC];
	_ =	sdelay $0x3  }
0x94: {  	_ =	strace s3  }
0x95: {  	s3 =	sld [smem:$0x3FFD];
	_ =	sdelay $0x3  }
0x96: {  	_ =	strace s3  }
0x97: {  	_ =	strace $0x8FFFFFFF  }
0x98: {  	s19 =	sld [smem:$0x3FDB];
	_ =	sdelay $0x1  }
0x99: {  	s4 =	simm.s32 $_scs_section_size  }
0x9a: {  	s5 =	simm.s32 $_size__tile_overlayer_lowered;
	s6 =	simm.s32 $_tile_overlayer_lowered  }
0x9b: {  	s22 =	simm.s32 $0x1BFF;
	s21 =	sshll.u32 s6, $0x1;
	s3 =	sadd.s32 s4, s19  }
0x9c: {  	s7 =	simm.s32 $0x0;
	s20 =	sshll.u32 s5, $0x1;
	s5 =	sadd.s32 s21, s3  }
0x9d: {  	[timem:s7], [sflag:s22] =	dma.local [hbm:s5], s20  }
0x9e: {  	_ =	swait.ge [sflag:s22], s20  }
0x9f: {  	s4 =	ssub.s32 $0x0, s20;
	[sflag:s22] =	ssyncset.done $0x0  }
0xa0: {  	[sflag:s22] =	ssyncadd.s32 s4;
	_ =	sdelay $0x1  }
0xa1: {  	s23 =	simm.s32 $0x1B8B  }
0xa2: {  	_ =	swait.ge [sflag:s23], $0x1  }
0xa3: {  	[sflag:s23] =	ssyncset.done $0x0  }
0xa4: {  	s25 =	simm.s32 $0x1B8E;
	s24 =	sld [smem:$0x3FFE];
	[sflag:s23] =	ssyncadd.s32 $0xFFFFFFFF  }
0xa5: {  	s26 =	simm.s32 $execute0_lowered;
	[smem:$0x3FD2] =	sst s25  }
0xa6: {  	s5 =	sshll.u32 s26, $0x1;
	_ =	strace $0x80000046;
	[dreg:$0x1] =	wrdreg $0xFFFFFFFF  }
0xa7: {  	s28 =	simm.s32 $_size_execute0_lowered;
	s3 =	sadd.s32 s3, s5;
	[dreg:$0x0] =	wrdreg $0x0  }
0xa8: {  	s5 =	sshll.u32 s28, $0x1;
	[dreg:$0x2] =	wrdreg s3  }
0xa9: {  	[dreg:$0x3] =	wrdreg s5  }
0xaa: {  	[dreg:$0x4] =	wrdreg $0xC0  }
0xab: {  	_ =	task [dreg:s7], $0x5FFFF  }
0xac: {  	[dreg:$0x1] =	wrdreg $0xFFFFFFFF  }
0xad: {  	[dreg:$0x0] =	wrdreg $0x60  }
0xae: {  	[dreg:$0x2] =	wrdreg s2  }
0xaf: {  	[dreg:$0x3] =	wrdreg s24  }
0xb0: {  	[dreg:$0x4] =	wrdreg $0x9  }
0xb1: {  	_ =	task.clear_ibuf [dreg:s7], $0x5FFFF;
	_ =	strace $0x90000046  }
0xb2: {  	s29 =	simm.s32 $0x9;
	_ =	strace $0x80000048  }
0xb3: {  	_ =	swait.ge [sflag:s29], $0x1  }
0xb4: {  	[sflag:s29] =	ssyncadd.s32 $0xFFFFFFFF  }
0xb5: {  	_ =	strace $0x90000048  }
0xb6: {  	_ =	sfence  }
0xb7: {  	s30 =	sld [smem:$0x0];
	_ =	sdelay $0x2  }
0xb8: {  	s31 =	sshll.u32 s1, $0xD;
	s1 =	sshrl.u32 s1, $0x2  }
0xb9: {  	s3 =	sand.u32 $0x4000, s31;
	s1 =	sadd.s32 s1, s30  }
0xba: {  	s0 =	sor.u32 s3, s0;
	s1 =	sshll.u32 s1, $0x11  }
0xbb: {  	s0 =	sor.u32 s1, s0  }
0xbc: {  	s0 =	sadd.s32 $0x8F2B, s0  }
0xbd: {  	[sflag:s0] =	ssyncadd.remote.s32 $0x1  }
0xbe: {  	_ =	sfence.sel $0xFFFF  }
0xbf: {  	[dreg:$0x0] =	wrdreg $0xFFFFFFFF;
	(pc) =	sbr.abs _section_cstart, $3  }
0xc0: {  	[dreg:$0x1] =	wrdreg $0xFFFFFFFF  }
0xc1: {  	_ =	task.clear_ibuf [dreg:s7], $0x2FFFF;
	_ =	strace $0x9FFFFFFF  }
0xc2: {  	(tm) =	ssettm $0x7FFFFFFF  }
0xc3: {  	_ =	shalt  }
tec
execute0_lowered:
.L_overlay_start_1:
0x0: {  	(tag) =	ssettag $0x1  }
0x1: {  	s4 =	rddreg [dreg:$0x0]  }
0x2: {  	s5 =	rddreg [dreg:$0x1]  }
0x3: {  	s0 =	simm.s32 $0x0;
	s26 =	stileid.u32;
	s7 =	srdreg.scid  }
0x4: {  	[smem:$0x7FF] =	sst s0;
	s6 =	sshll.u32 s26, $0xE;
	s3 =	sadd.s32 $0x400, s5  }
0x5: {  	s28 =	sand.u32 $0x1, s7;
	s8 =	sshll.u32 s26, $0xA;
	_ =	strace $0x80000047  }
0x6: {  	s5 =	sadd.s32 s6, s5;
	s9 =	sshll.u32 s28, $0x9;
	s6 =	sshll.u32 s28, $0xD  }
0x7: {  	s7 =	ssub.s32 $0x2, s28;
	s8 =	sor.u32 s9, s8;
	s6 =	sadd.s32 s6, s5  }
0x8: {  	s29 =	sshrl.u32 s7, $0x1;
	s8 =	sshrl.u32 s8, $0x3;
	s6 =	sadd.s32 $0xF42A00, s6  }
0x9: {  	s7 =	ssub.s32 s7, s29;
	s1 =	sadd.s32 s4, s8;
	[dreg:$0x3] =	wrdreg s6  }
0xa: {  	s31 =	sshll.u32 s26, $0x6;
	s30 =	smax.u32 s7, $0x1;
	[dreg:$0x9] =	wrdreg s1  }
0xb: {  	s2 =	simm.s32 $0x0;
	s7 =	sor.u32 $0x1C01, s31;
	[dreg:$0xa] =	wrdreg s30  }
.LBB2_1:
0xc: {  	[dreg:$0xb] =	wrdreg s2  }
0xd: {  	s0 =	simm.s32 $0x0;
	s1 =	rddreg [dreg:$0x9];
	s22 =	simm.s32 $0x2  }
0xe: {  	[tilespmem:s0], [sflag:$0x2] =	stream.linear.gather [hbm4b:s1+s0], $0x200, $0x38;
	[tilespmem:$0x200] =	vst v63  }
0xf: {  	_ =	swait.ge [sflag:s22], $0x200  }
0x10: {  	[sflag:s22] =	ssyncset.done $0x0  }
0x11: {  	[sflag:s22] =	ssyncadd.s32 $0xFFFFFE00  }
0x12: {  	v0 =	vld [tilespmem:s0+$0x0];
	_ =	sdelay $0x4  }
0x13: {  	v0 =	vshll.u32 v0, $0x4  }
0x14: {  	(v2sf) =	vpush v0, $0x0  }
0x15: {  	(v2sf) =	vpush v0, $0xF  }
0x16: {  	(v2sf) =	vpush v0, $0x6  }
0x17: {  	(v2sf) =	vpush v0, $0x5  }
0x18: {  	(v2sf) =	vpush v0, $0xE;
	_ =	sdelay $0x4  }
0x19: {  	(v2sf) =	vpush v0, $0x9  }
0x1a: {  	(v2sf) =	vpush v0, $0xC  }
0x1b: {  	(v2sf) =	vpush v0, $0x2  }
0x1c: {  	s10 =	rddreg [dreg:$0x3];
	(v2sf) =	vpush v0, $0xB  }
0x1d: {  	s11 =	simm.s32 $0x100;
	s14 =	simm.s32 $0x10;
	s16 =	sadd.s32 $0x0, s10;
	(v2sf) =	vpush v0, $0xD  }
0x1e: {  	s19 =	sadd.s32 $0x80, s16;
	s30 =	sadd.s32 $0x40, s16;
	s15 =	sadd.s32 $0xF0, s16;
	(v2sf) =	vpush v0, $0x3  }
0x1f: {  	s18 =	sadd.s32 $0xD0, s16;
	s17 =	sadd.s32 $0xE0, s16;
	(v2sf) =	vpush v0, $0x7;
	s29 =	spop (v2sf)  }
0x20: {  	s31 =	sadd.s32 $0x70, s16;
	s21 =	sadd.s32 $0xA0, s16;
	(v2sf) =	vpush v0, $0x8;
	s22 =	spop (v2sf)  }
0x21: {  	s28 =	sadd.s32 $0xB0, s16;
	s20 =	sadd.s32 $0xC0, s16;
	(v2sf) =	vpush v0, $0x4;
	s23 =	spop (v2sf)  }
0x22: {  	s24 =	sadd.s32 $0x10, s16;
	(v2sf) =	vpush v0, $0x1;
	s26 =	sand.u32 $0x1FFFFFF0, s23;
	s23 =	spop (v2sf)  }
0x23: {  	s25 =	sand.u32 $0x1FFFFFF0, s22;
	(v2sf) =	vpush v0, $0xA;
	s23 =	sand.u32 $0x1FFFFFF0, s23;
	s22 =	spop (v2sf)  }
.LBB2_2:
0x24: {  	_ = 	snop  }
0x25: {  	[dreg:$0x6] =	wrdreg s30;
	s0 =	sadd.s32 $0x30, s16  }
0x26: {  	s10 =	sadd.s32 s3, s26;
	s26 =	sadd.s32 $0x20, s16;
	s12 =	sadd.s32 s3, s25  }
0x27: {  	s1 =	sand.u32 $0x1FFFFFF0, s29;
	s2 =	sadd.s32 $0x60, s16;
	s6 =	sadd.s32 $0x50, s16  }
0x28: {  	s29 =	sadd.s32 $0x90, s16;
	[dreg:$0x7] =	wrdreg s0;
	s30 =	spop (v2sf)  }
0x29: {  	s4 =	smov.u32 s15;
	[dreg:$0x5] =	wrdreg s10;
	s13 =	spop (v2sf)  }
0x2a: {  	s22 =	sand.u32 $0x1FFFFFF0, s22;
	[dreg:$0x4] =	wrdreg s12;
	s25 =	spop (v2sf)  }
0x2b: {  	s23 =	sadd.s32 s3, s23;
	[dreg:$0x8] =	wrdreg s2;
	s5 =	spop (v2sf)  }
0x2c: {  	s1 =	sadd.s32 s3, s1;
	s22 =	sadd.s32 s3, s22;
	s8 =	spop (v2sf)  }
0x2d: {  	s30 =	sand.u32 $0x1FFFFFF0, s30;
	s0 =	sand.u32 $0x1FFFFFF0, s13;
	s9 =	spop (v2sf)  }
0x2e: {  	s30 =	sadd.s32 s3, s30;
	s2 =	sand.u32 $0x1FFFFFF0, s25;
	s10 =	spop (v2sf)  }
0x2f: {  	s25 =	sadd.s32 s3, s0;
	s5 =	sand.u32 $0x1FFFFFF0, s5;
	s12 =	spop (v2sf)  }
0x30: {  	s2 =	sadd.s32 s3, s2;
	s8 =	sand.u32 $0x1FFFFFF0, s8;
	s13 =	spop (v2sf)  }
0x31: {  	s5 =	sadd.s32 s3, s5;
	s9 =	sand.u32 $0x1FFFFFF0, s9;
	s0 =	spop (v2sf)  }
0x32: {  	s8 =	sadd.s32 s3, s8;
	s9 =	sadd.s32 s3, s9;
	s15 =	sand.u32 $0x1FFFFFF0, s0  }
0x33: {  	s0 =	smov.u32 s17;
	s17 =	spop (v2sf);
	s15 =	sadd.s32 s3, s15  }
0x34: {  	[hbm:s16], [sflag:s7] =	dma.local [hbm:s1], $0x10  }
0x35: {  	[hbm:s24], [sflag:s7] =	dma.local [hbm:s15], $0x10  }
0x36: {  	[hbm:s26], [sflag:s7] =	dma.local [hbm:s2], $0x10  }
0x37: {  	s10 =	sand.u32 $0x1FFFFFF0, s10;
	s13 =	sand.u32 $0x1FFFFFF0, s13;
	s2 =	rddreg [dreg:$0x7]  }
0x38: {  	[hbm:s2], [sflag:s7] =	dma.local [hbm:s9], $0x10  }
0x39: {  	s12 =	sand.u32 $0x1FFFFFF0, s12;
	s13 =	sadd.s32 s3, s13;
	s1 =	rddreg [dreg:$0x6]  }
0x3a: {  	[hbm:s1], [sflag:s7] =	dma.local [hbm:s13], $0x10  }
0x3b: {  	[hbm:s6], [sflag:s7] =	dma.local [hbm:s23], $0x10  }
0x3c: {  	s10 =	sadd.s32 s3, s10;
	s17 =	sand.u32 $0x1FFFFFF0, s17;
	s6 =	rddreg [dreg:$0x5]  }
0x3d: {  	s12 =	sadd.s32 s3, s12;
	s17 =	sadd.s32 s3, s17;
	s9 =	rddreg [dreg:$0x8]  }
0x3e: {  	[hbm:s9], [sflag:s7] =	dma.local [hbm:s6], $0x10  }
0x3f: {  	[hbm:s31], [sflag:s7] =	dma.local [hbm:s10], $0x10  }
0x40: {  	[hbm:s19], [sflag:s7] =	dma.local [hbm:s12], $0x10  }
0x41: {  	[hbm:s29], [sflag:s7] =	dma.local [hbm:s30], $0x10  }
0x42: {  	[hbm:s21], [sflag:s7] =	dma.local [hbm:s17], $0x10  }
0x43: {  	[hbm:s28], [sflag:s7] =	dma.local [hbm:s5], $0x10  }
0x44: {  	[hbm:s20], [sflag:s7] =	dma.local [hbm:s25], $0x10  }
0x45: {  	[hbm:s18], [sflag:s7] =	dma.local [hbm:s8], $0x10  }
0x46: {  	[hbm:s0], [sflag:s7] =	dma.local [hbm:s22], $0x10  }
0x47: {  	s0 =	rddreg [dreg:$0x4]  }
0x48: {  	[hbm:s4], [sflag:s7] =	dma.local [hbm:s0], $0x10  }
0x49: {  	v0 =	vld [tilespmem:s14+$0x0];
	_ =	sdelay $0x4  }
0x4a: {  	v0 =	vshll.u32 v0, $0x4  }
0x4b: {  	(v2sf) =	vpush v0, $0x0  }
0x4c: {  	(v2sf) =	vpush v0, $0xF  }
0x4d: {  	(v2sf) =	vpush v0, $0x6  }
0x4e: {  	(v2sf) =	vpush v0, $0x5  }
0x4f: {  	(v2sf) =	vpush v0, $0xE;
	_ =	sdelay $0x4  }
0x50: {  	(v2sf) =	vpush v0, $0x9  }
0x51: {  	(v2sf) =	vpush v0, $0xC  }
0x52: {  	s10 =	smov.u32 s11;
	s12 =	rddreg [dreg:$0x3];
	(v2sf) =	vpush v0, $0x2  }
0x53: {  	p0 =	sne.s32 s11, $0x1F00;
	s16 =	sadd.s32 s10, s12;
	(v2sf) =	vpush v0, $0xB  }
0x54: {  	s11 =	sadd.s32 $0x100, s11;
	s14 =	sadd.s32 $0x10, s14;
	s19 =	sadd.s32 $0x80, s16;
	(v2sf) =	vpush v0, $0xD  }
0x55: {  	s30 =	sadd.s32 $0x40, s16;
	s15 =	sadd.s32 $0xF0, s16;
	s18 =	sadd.s32 $0xD0, s16;
	(v2sf) =	vpush v0, $0x3  }
.Ltmp0:
0x56: {  	s17 =	sadd.s32 $0xE0, s16;
	(v2sf) =	vpush v0, $0x7;
	s29 =	spop (v2sf);
	(pc) =	sbr.rel @p0 .LBB2_2-.Ltmp0, $4  }
0x57: {  	s31 =	sadd.s32 $0x70, s16;
	s21 =	sadd.s32 $0xA0, s16;
	(v2sf) =	vpush v0, $0x8;
	s13 =	spop (v2sf)  }
0x58: {  	s28 =	sadd.s32 $0xB0, s16;
	s20 =	sadd.s32 $0xC0, s16;
	(v2sf) =	vpush v0, $0x4;
	s22 =	spop (v2sf)  }
0x59: {  	s24 =	sadd.s32 $0x10, s16;
	(v2sf) =	vpush v0, $0x1;
	s25 =	sand.u32 $0x1FFFFFF0, s13;
	s23 =	spop (v2sf)  }
0x5a: {  	(v2sf) =	vpush v0, $0xA;
	s26 =	sand.u32 $0x1FFFFFF0, s22;
	s23 =	sand.u32 $0x1FFFFFF0, s23;
	s22 =	spop (v2sf)  }
0x5b: {  	_ =	sdelay $0x3  }
0x5c: {  	s0 =	spop (v2sf)  }
0x5d: {  	s1 =	spop (v2sf)  }
0x5e: {  	s2 =	spop (v2sf)  }
0x5f: {  	s4 =	spop (v2sf)  }
0x60: {  	s5 =	spop (v2sf)  }
0x61: {  	s6 =	spop (v2sf)  }
0x62: {  	s8 =	spop (v2sf)  }
0x63: {  	s9 =	spop (v2sf)  }
0x64: {  	s11 =	sand.u32 $0x1FFFFFF0, s29;
	s10 =	spop (v2sf)  }
0x65: {  	s11 =	sadd.s32 s3, s11;
	s12 =	spop (v2sf)  }
0x66: {  	s2 =	sand.u32 $0x1FFFFFF0, s2;
	s13 =	spop (v2sf);
	s14 =	sand.u32 $0x1FFFFFF0, s12  }
0x67: {  	[hbm:s16], [sflag:s7] =	dma.local [hbm:s11], $0x10  }
0x68: {  	s29 =	sadd.s32 $0x20, s16;
	s2 =	sadd.s32 s3, s2;
	s11 =	sadd.s32 s3, s14  }
0x69: {  	[hbm:s24], [sflag:s7] =	dma.local [hbm:s11], $0x10  }
0x6a: {  	s12 =	sand.u32 $0x1FFFFFF0, s6;
	s14 =	sadd.s32 $0x30, s16;
	s24 =	sand.u32 $0x1FFFFFF0, s10  }
0x6b: {  	[hbm:s29], [sflag:s7] =	dma.local [hbm:s2], $0x10  }
0x6c: {  	s10 =	sadd.s32 s3, s26;
	s11 =	sadd.s32 $0x60, s16;
	s2 =	sadd.s32 s3, s12  }
0x6d: {  	[hbm:s14], [sflag:s7] =	dma.local [hbm:s2], $0x10  }
0x6e: {  	s29 =	sadd.s32 $0x50, s16;
	s12 =	sand.u32 $0x1FFFFFF0, s8;
	s2 =	sadd.s32 s3, s24  }
0x6f: {  	[hbm:s30], [sflag:s7] =	dma.local [hbm:s2], $0x10  }
0x70: {  	s14 =	sand.u32 $0x1FFFFFF0, s9;
	s30 =	sadd.s32 s3, s23;
	s2 =	sadd.s32 s3, s12  }
0x71: {  	[hbm:s29], [sflag:s7] =	dma.local [hbm:s30], $0x10  }
0x72: {  	[hbm:s11], [sflag:s7] =	dma.local [hbm:s10], $0x10  }
0x73: {  	[hbm:s31], [sflag:s7] =	dma.local [hbm:s2], $0x10  }
0x74: {  	s0 =	sand.u32 $0x1FFFFFF0, s0;
	s2 =	sadd.s32 s3, s14  }
0x75: {  	[hbm:s19], [sflag:s7] =	dma.local [hbm:s2], $0x10  }
0x76: {  	s0 =	sadd.s32 s3, s0;
	s16 =	sadd.s32 $0x90, s16;
	s19 =	sand.u32 $0x1FFFFFF0, s13  }
0x77: {  	[hbm:s16], [sflag:s7] =	dma.local [hbm:s0], $0x10  }
0x78: {  	s0 =	sadd.s32 s3, s19  }
0x79: {  	[hbm:s21], [sflag:s7] =	dma.local [hbm:s0], $0x10  }
0x7a: {  	s21 =	sand.u32 $0x1FFFFFF0, s4  }
0x7b: {  	s23 =	sand.u32 $0x1FFFFFF0, s1;
	s0 =	sadd.s32 s3, s21  }
0x7c: {  	[hbm:s28], [sflag:s7] =	dma.local [hbm:s0], $0x10  }
0x7d: {  	s24 =	sand.u32 $0x1FFFFFF0, s5;
	s0 =	sadd.s32 s3, s23  }
0x7e: {  	[hbm:s20], [sflag:s7] =	dma.local [hbm:s0], $0x10  }
0x7f: {  	s26 =	sand.u32 $0x1FFFFFF0, s22;
	s0 =	sadd.s32 s3, s24  }
0x80: {  	[hbm:s18], [sflag:s7] =	dma.local [hbm:s0], $0x10  }
0x81: {  	s29 =	simm.s32 $0x1;
	s28 =	sadd.s32 s3, s25;
	s0 =	sadd.s32 s3, s26  }
0x82: {  	[hbm:s17], [sflag:s7] =	dma.local [hbm:s0], $0x10  }
0x83: {  	[hbm:s15], [sflag:s7] =	dma.local [hbm:s28], $0x10  }
0x84: {  	_ =	swait.ge [sflag:s29], $0x2000  }
0x85: {  	s30 =	rddreg [dreg:$0xb]  }
0x86: {  	s31 =	rddreg [dreg:$0xa];
	s2 =	sadd.s32 $0x1, s30  }
0x87: {  	p0 =	sne.s32 s2, s31  }
.Ltmp1:
0x88: {  	_ = 	snop;
	(pc) =	sbr.rel @p0 .LBB2_1-.Ltmp1, $3  }
0x89: {  	_ =	sdelay $0x1  }
0x8a: {  	[sflag:s29] =	ssyncset.done $0x0  }
0x8b: {  	[sflag:s29] =	ssyncadd.s32 $0xFFFFE000  }
0x8c: {  	_ =	sfence.sel $0x180000  }
0x8d: {  	[bflag:$0x0] =	sbarrier.arrive $0xFFFF  }
0x8e: {  	_ =	strace $0x90000047  }
0x8f: {  	s0 =	stileid.u32;
	[bflag:$0x2] =	sbarrier.arrive $0xFFFF  }
0x90: {  	p0 =	sne.s32 s0, $0x0;
	s0 =	rddreg [dreg:$0x2]  }
0x91: {  	s0 =	sadd.s32 @!p0 $0x100000, s0  }
0x92: {  	[sflag:s0] =	ssyncadd.tile.s32 @!p0 $0x1;
	_ =	shalt  }
.Lfunc_end2:
_tile_overlayer_lowered:
.L_overlay_start_2:
0x93: {  	(tag) =	ssettag $0x2  }
0x94: {  	s0 =	rddreg [dreg:$0x0];
	s2 =	stileid.u32  }
0x95: {  	s1 =	rddreg [dreg:$0x1];
	p0 =	sne.s32 s2, $0x0  }
0x96: {  	s3 =	rddreg [dreg:$0x2];
	[bflag:$0x3] =	sbarrier.arrive $0xFFFF;
	s2 =	simm.s32 @!p0 $0x1C02  }
0x97: {  	[timem:s3], [sflag:s2] =	dma.local @!p0 [hbm:s0], s1  }
0x98: {  	s0 =	simm.s32 @!p0 $0x2  }
0x99: {  	_ =	swait.ge @!p0 [sflag:s0], s1  }
0x9a: {  	s1 =	ssub.s32 @!p0 $0x0, s1;
	[sflag:s0] =	ssyncset.done @!p0 $0x0  }
0x9b: {  	[sflag:s0] =	ssyncadd.s32 @!p0 s1  }
0x9c: {  	[bflag:$0x3] =	sbarrier.arrive $0xFFFF  }
0x9d: {  	_ =	shalt  }

</sc_bundles>
